<compile_context>
chip_gen: v7x
topology: tpu7x:2x2x1
jax: 0.10.2.dev20260603
libtpu: 0.0.44.dev20260713+nightly
codegen_flags: <defaults>
</compile_context>

<pallas_src>
import jax
import jax.numpy as jnp
from jax import lax
from jax.experimental import pallas as pl
from jax.experimental.pallas import tpu as pltpu

NUM_CLS = 201
DIM = 2048
S = 32
BS = 64
HW = 196
H = 14
FORGET = 0.8
_PREC = lax.Precision.HIGHEST


def _k1_body(labels_ref, feat_ref, bank_ref, picked_ref, pv_ref, sim_ref, p0_ref):
    x = feat_ref[0]
    relu_sum = jnp.sum(jnp.maximum(x, 0.0), axis=0, keepdims=True)

    p_i = lax.broadcasted_iota(jnp.int32, (HW, H), 0)
    w_i = lax.broadcasted_iota(jnp.int32, (HW, H), 1)
    wsel = (lax.rem(p_i, H) == w_i).astype(jnp.float32)
    wselT = (lax.rem(lax.broadcasted_iota(jnp.int32, (H, HW), 1), H)
             == lax.broadcasted_iota(jnp.int32, (H, HW), 0)).astype(jnp.float32)
    col2 = jax.lax.dot_general(relu_sum * relu_sum, wsel,
                               (((1,), (0,)), ((), ())), precision=_PREC)
    nrm = jnp.maximum(jnp.sqrt(col2), 1e-12)
    nrm196 = jax.lax.dot_general(nrm, wselT, (((1,), (0,)), ((), ())),
                                 precision=_PREC)
    v = relu_sum / nrm196

    eye = (lax.broadcasted_iota(jnp.int32, (HW, HW), 0)
           == lax.broadcasted_iota(jnp.int32, (HW, HW), 1)).astype(jnp.float32)
    v_col = jax.lax.dot_general(eye, v, (((1,), (1,)), ((), ())),
                                precision=_PREC)
    q_i = lax.broadcasted_iota(jnp.int32, (HW, HW), 1)
    p_i2 = lax.broadcasted_iota(jnp.int32, (HW, HW), 0)
    beats = jnp.logical_or(v > v_col, jnp.logical_and(v == v_col, q_i < p_i2))
    rank = jax.lax.dot_general(beats.astype(jnp.float32),
                               jnp.ones((HW, 1), jnp.float32),
                               (((1,), (0,)), ((), ())), precision=_PREC)
    slot = lax.broadcasted_iota(jnp.int32, (HW, S), 1)
    oh = (rank.astype(jnp.int32) == slot).astype(jnp.float32)

    pick = jax.lax.dot_general(x, oh, (((1,), (0,)), ((), ())),
                               precision=_PREC)
    vals = jax.lax.dot_general(v, oh, (((1,), (0,)), ((), ())),
                               precision=_PREC)
    picked_ref[0] = pick
    pv_ref[0] = vals
    p0_ref[0] = pick[:, 0:1]

    bf = bank_ref[0]
    g = jax.lax.dot_general(bf, pick, (((0,), (0,)), ((), ())),
                            precision=_PREC)
    bn = jnp.sqrt(jnp.sum(bf * bf, axis=0, keepdims=True))
    pn = jnp.sqrt(jnp.sum(pick * pick, axis=0, keepdims=True))
    rb = 1.0 / jnp.maximum(bn, 1e-8)
    rp = 1.0 / jnp.maximum(pn, 1e-8)
    eye_s = (lax.broadcasted_iota(jnp.int32, (S, S), 0)
             == lax.broadcasted_iota(jnp.int32, (S, S), 1)).astype(jnp.float32)
    sim_ref[0] = jax.lax.dot_general(eye_s * rb, g, (((1,), (0,)), ((), ())),
                                     precision=_PREC) * rp


def _k2_body(sim_ref, pv_ref, nu_ref, svals_ref, oh_ref, p0_ref, ctx_ref,
             has_ref, fm_ref, ot_ref, utrucf_ref, uctx_ref):
    simf = sim_ref[...]
    k = jnp.exp(simf / 0.05)
    mu = jnp.maximum(pv_ref[...], 0.0)
    mu = mu / (jnp.sum(mu, axis=1, keepdims=True) + 1e-8)
    nu = jnp.maximum(nu_ref[...], 0.0)
    nu = nu / (jnp.sum(nu, axis=1, keepdims=True) + 1e-8)

    r_i = lax.broadcasted_iota(jnp.int32, (BS * S, BS), 0)
    n_i = lax.broadcasted_iota(jnp.int32, (BS * S, BS), 1)
    p2 = (lax.div(r_i, S) == n_i).astype(jnp.float32)
    s_i = lax.broadcasted_iota(jnp.int32, (BS * S, S), 0)
    t_i = lax.broadcasted_iota(jnp.int32, (BS * S, S), 1)
    smask = (lax.rem(s_i, S) == t_i).astype(jnp.float32)
    nu_flat = jnp.sum(jax.lax.dot_general(p2, nu, (((1,), (0,)), ((), ())),
                                          precision=_PREC) * smask,
                      axis=1, keepdims=True)

    def it(_, ab):
        a, _b = ab
        kta = jax.lax.dot_general(p2, k * a, (((0,), (0,)), ((), ())),
                                  precision=_PREC)
        b = mu / (kta + 1e-8)
        bexp = jax.lax.dot_general(p2, b, (((1,), (0,)), ((), ())),
                                   precision=_PREC)
        kb = jnp.sum(k * bexp, axis=1, keepdims=True)
        a = nu_flat / (kb + 1e-8)
        return a, b

    a, b = lax.fori_loop(0, 50, it,
                         (jnp.ones((BS * S, 1), jnp.float32),
                          jnp.ones((BS, S), jnp.float32)))
    bexp = jax.lax.dot_general(p2, b, (((1,), (0,)), ((), ())), precision=_PREC)
    ot_ref[...] = a * k * bexp * jnp.float32(S) * fm_ref[...]

    oh = oh_ref[...]
    utrucf_ref[...] = jax.lax.dot_general(oh, svals_ref[...],
                                          (((1,), (0,)), ((), ())),
                                          precision=_PREC)
    uctx_ref[...] = (FORGET * jax.lax.dot_general(oh, p0_ref[...],
                                                  (((1,), (0,)), ((), ())),
                                                  precision=_PREC)
                     + (1.0 - FORGET) * has_ref[...] * ctx_ref[...])


def _k3_body(oh_ref, picked_ref, out_ref):
    out_ref[...] = jax.lax.dot_general(oh_ref[...], picked_ref[...],
                                       (((1,), (0,)), ((), ())),
                                       precision=_PREC)


def kernel(scores, labels, feat, feat_bank, bank_confidence_transport,
           bank_confidence, context_bank):
    f32 = jnp.float32
    labels = labels.astype(jnp.int32)

    sm = jax.nn.softmax(scores, axis=1)
    pred_val = sm.max(axis=1)
    pred_pos = jnp.argmax(sm, axis=1)
    correct = pred_pos == labels
    conf_l = bank_confidence[labels]
    update_j = (pred_val - conf_l) > 0.1
    forward_j = (conf_l - pred_val) > 0.1
    bank_j = conf_l != 0
    bg_j = (labels != NUM_CLS) | (pred_pos != NUM_CLS)
    update_mask = correct & update_j & bg_j
    forward_mask = correct & forward_j & bg_j & bank_j

    idx = jnp.where(update_mask, labels, NUM_CLS)
    cls = jnp.arange(NUM_CLS, dtype=jnp.int32)[:, None]
    samp = jnp.arange(BS, dtype=jnp.int32)[None, :]
    eq = idx[None, :] == cls
    win = jnp.max(jnp.where(eq, samp, -1), axis=1)
    has = win >= 0
    oh_win = (eq & (samp == win[:, None])).astype(f32)
    has_col = has.astype(f32)[:, None]

    nu_g = bank_confidence_transport[labels]
    fm_rows = jnp.repeat(forward_mask.astype(f32), S)[:, None]

    feat_r = feat.reshape(BS, DIM, HW)

    grid_spec = pltpu.PrefetchScalarGridSpec(
        num_scalar_prefetch=1,
        grid=(BS,),
        in_specs=[
            pl.BlockSpec((1, DIM, HW), lambda i, lbl: (i, 0, 0)),
            pl.BlockSpec((1, DIM, S), lambda i, lbl: (lbl[i], 0, 0)),
        ],
        out_specs=[
            pl.BlockSpec((1, DIM, S), lambda i, lbl: (i, 0, 0)),
            pl.BlockSpec((1, 1, S), lambda i, lbl: (i, 0, 0)),
            pl.BlockSpec((1, S, S), lambda i, lbl: (i, 0, 0)),
            pl.BlockSpec((1, DIM, 1), lambda i, lbl: (i, 0, 0)),
        ],
    )
    picked, pick_val, sim, pfeat0 = pl.pallas_call(
        _k1_body,
        grid_spec=grid_spec,
        out_shape=[
            jax.ShapeDtypeStruct((BS, DIM, S), f32),
            jax.ShapeDtypeStruct((BS, 1, S), f32),
            jax.ShapeDtypeStruct((BS, S, S), f32),
            jax.ShapeDtypeStruct((BS, DIM, 1), f32),
        ],
    )(labels, feat_r, feat_bank)

    pick_val2 = pick_val.reshape(BS, S)
    svals = jnp.concatenate(
        [pick_val2, pred_val[:, None], jnp.zeros((BS, 31), f32)], axis=1)

    ot_flat, utrucf, uctx = pl.pallas_call(
        _k2_body,
        out_shape=[
            jax.ShapeDtypeStruct((BS * S, S), f32),
            jax.ShapeDtypeStruct((NUM_CLS, 64), f32),
            jax.ShapeDtypeStruct((NUM_CLS, DIM), f32),
        ],
    )(sim.reshape(BS * S, S), pick_val2, nu_g, svals, oh_win,
      pfeat0.reshape(BS, DIM), context_bank, has_col, fm_rows)

    chunk = 4096
    nchunk = (DIM * S) // chunk
    ufb_flat = pl.pallas_call(
        _k3_body,
        grid=(nchunk,),
        in_specs=[
            pl.BlockSpec((NUM_CLS, BS), lambda j: (0, 0)),
            pl.BlockSpec((BS, chunk), lambda j: (0, j)),
        ],
        out_specs=pl.BlockSpec((NUM_CLS, chunk), lambda j: (0, j)),
        out_shape=jax.ShapeDtypeStruct((NUM_CLS, DIM * S), f32),
    )(oh_win, picked.reshape(BS, DIM * S))

    otmaps = ot_flat.reshape(BS, S, S)
    ufb = ufb_flat.reshape(NUM_CLS, DIM, S)
    utr = utrucf[:, :S]
    ucf = utrucf[:, S]
    return otmaps, ufb, utr, ucf, uctx

# --- scband reference (transcript-rebuilt; emitter-appended) ---
"""Pipeline reference for scband-align-mem-8546984919617 (READ-ONLY COPY).

The authoritative reference and input builder live on the scoring server;
editing this copy changes nothing except your own understanding.
"""

import jax, jax.numpy as jnp
import numpy as np

NUM_CLS = 201   # numcls + 1
DIM = 2048      # bank_dim (ResNet-50 stage-5 channels)
S = 32          # otmap_struct_max (structure bank slots)
BS = 64
H = 14
W = 14
FORGET = 0.8


def _cosine(a, b, axis, eps=1e-8):
    an = jnp.sqrt((a * a).sum(axis))
    bn = jnp.sqrt((b * b).sum(axis))
    return (a * b).sum(axis) / (jnp.maximum(an, eps) * jnp.maximum(bn, eps))


def rhm_single(sim, mu, nu, eps=0.05, iters=50):
    # regularized (Sinkhorn) optimal-transport voting between candidates (cols)
    # and bank slots (rows); mu = candidate confidences, nu = bank confidences.
    mu = jnp.maximum(mu, 0.0)
    mu = mu / (mu.sum() + 1e-8)
    nu = jnp.maximum(nu, 0.0)
    nu = nu / (nu.sum() + 1e-8)
    K = jnp.exp(sim / eps)
    a = jnp.ones_like(nu)
    b = jnp.ones_like(mu)
    for _ in range(iters):
        b = mu / (K.T @ a + 1e-8)
        a = nu / (K @ b + 1e-8)
    return (a[:, None] * K * b[None, :]) * sim.shape[0]


def setup_inputs(seed: int = 0):
    key = jax.random.key(seed)
    ks = jax.random.split(key, 8)
    scores = jax.random.normal(ks[0], (BS, NUM_CLS), jnp.float32)
    labels = jax.random.randint(ks[1], (BS,), 0, NUM_CLS)
    feat = jax.random.normal(ks[2], (BS, DIM, H, W), jnp.float32)
    # persistent bank state (buffers in the torch module), materialized non-zero
    # so that the forward/error paths are exercised
    feat_bank = jax.random.normal(ks[3], (NUM_CLS, DIM, S), jnp.float32)
    bank_confidence_transport = jax.random.normal(ks[4], (NUM_CLS, S), jnp.float32)
    bank_confidence = jax.random.uniform(ks[5], (NUM_CLS,), jnp.float32)
    context_bank = jax.random.normal(ks[6], (NUM_CLS, DIM), jnp.float32)
    return {
        "scores": scores,
        "labels": labels,
        "feat": feat,
        "feat_bank": feat_bank,
        "bank_confidence_transport": bank_confidence_transport,
        "bank_confidence": bank_confidence,
        "context_bank": context_bank,
    }


def reference(scores, labels, feat, feat_bank, bank_confidence_transport,
              bank_confidence, context_bank):
    sm = jax.nn.softmax(scores, axis=1)
    pred_val = sm.max(axis=1)
    pred_pos = jnp.argmax(sm, axis=1)
    bs, dim, h, w = feat.shape
    re_feat = feat.reshape(bs, dim, h * w)
    hm = jnp.maximum(feat, 0.0).sum(axis=1)  # [bs, h, w]
    # F.normalize default dim=1 on a [bs, h, w] tensor
    nrm = jnp.maximum(jnp.sqrt((hm * hm).sum(axis=1, keepdims=True)), 1e-12)
    feat_hm = hm / nrm
    feat_hm_view = feat_hm.reshape(bs, -1)

    correct = pred_pos == labels
    conf_l = bank_confidence[labels]
    update_j = (pred_val - conf_l) > 0.1
    forward_j = (conf_l - pred_val) > 0.1
    bank_j = conf_l != 0
    bg_j = (labels != NUM_CLS) | (pred_pos != NUM_CLS)
    update_mask = correct & update_j & bg_j
    forward_mask = correct & forward_j & bg_j & bank_j

    pick_val, pick_pos = jax.lax.top_k(feat_hm_view, S)          # [bs, S]
    picked = jnp.take_along_axis(re_feat, pick_pos[:, None, :], axis=2)  # [bs, dim, S]

    # scatter-overwrite memory updates routed by class label; masked-out
    # samples are routed to a dummy row that gets sliced away
    idx = jnp.where(update_mask, labels, NUM_CLS)
    ufb = jnp.zeros((NUM_CLS + 1, dim, S), feat.dtype).at[idx].set(picked)[:NUM_CLS]
    utr = jnp.zeros((NUM_CLS + 1, S), feat.dtype).at[idx].set(pick_val)[:NUM_CLS]
    ucf = jnp.zeros((NUM_CLS + 1,), feat.dtype).at[idx].set(pred_val)[:NUM_CLS]
    ct_pfeat = picked[:, :, 0]
    ct_new = FORGET * ct_pfeat + (1.0 - FORGET) * context_bank[labels]
    uctx = jnp.zeros((NUM_CLS + 1, dim), feat.dtype).at[idx].set(ct_new)[:NUM_CLS]

    # OT alignment maps (correct_forward path), gathered per-sample bank rows
    bank_feat_g = feat_bank[labels]                   # [bs, dim, S]
    bank_tr_g = bank_confidence_transport[labels]     # [bs, S]

    def single_ot(pf, pv, bf, bc):
        sim = _cosine(bf[:, :, None], pf[:, None, :], axis=0)  # [S(bank), S(candi)]
        return rhm_single(sim, pv, bc)

    otmaps = jax.vmap(single_ot)(picked, pick_val, bank_feat_g, bank_tr_g)  # [bs, S, S]
    otmaps = otmaps * forward_mask[:, None, None].astype(feat.dtype)
    return otmaps, ufb, utr, ucf, uctx

if __name__ == "__main__":
    import jax
    _d = setup_inputs()
    print(jax.jit(kernel)(*tuple(_d.values())))

</pallas_src>

<mosaic_0001>
module attributes {stable_mosaic.version = 14 : i64} {
  func.func @_k1_body(%arg0: i32, %arg1: memref<64xi32, #tpu.memory_space<smem>>, %arg2: memref<1x2048x196xf32, #tpu.memory_space<vmem>>, %arg3: memref<1x2048x32xf32, #tpu.memory_space<vmem>>, %arg4: memref<1x2048x32xf32, #tpu.memory_space<vmem>>, %arg5: memref<1x1x32xf32, #tpu.memory_space<vmem>>, %arg6: memref<1x32x32xf32, #tpu.memory_space<vmem>>, %arg7: memref<1x2048x1xf32, #tpu.memory_space<vmem>>) attributes {dimension_semantics = [#tpu.dimension_semantics<arbitrary>], iteration_bounds = array<i64: 64>, scalar_prefetch = 1 : i64, scratch_operands = 0 : i64, tpu.core_type = #tpu.core_type<tc>, window_params = [{transform_indices = @transform_0, window_bounds = array<i64: 1, 2048, 196>}, {transform_indices = @transform_1, window_bounds = array<i64: 1, 2048, 32>}, {transform_indices = @transform_2, window_bounds = array<i64: 1, 2048, 32>}, {transform_indices = @transform_3, window_bounds = array<i64: 1, 1, 32>}, {transform_indices = @transform_4, window_bounds = array<i64: 1, 32, 32>}, {transform_indices = @transform_5, window_bounds = array<i64: 1, 2048, 1>}]} {
    %get3A = arith.constant 0 : index
    %get3A_0 = arith.constant 0 : index
    %get3A_1 = arith.constant 0 : index
    %get3A_2 = vector.load %arg2[%get3A, %get3A_0, %get3A_1] : memref<1x2048x196xf32, #tpu.memory_space<vmem>>, vector<1x2048x196xf32>
    %get3A_3 = vector.shape_cast %get3A_2 : vector<1x2048x196xf32> to vector<2048x196xf32>
    %max3A = arith.constant 0.000000e+00 : f32
    %max3A_4 = vector.broadcast %max3A : f32 to vector<2048x196xf32>
    %max3A_5 = arith.maximumf %get3A_3, %max3A_4 : vector<2048x196xf32>
    %reduce_sum3A = arith.constant dense<0.000000e+00> : vector<196xf32>
    %reduce_sum3A_6 = vector.multi_reduction <add>, %max3A_5, %reduce_sum3A [0] : vector<2048x196xf32> to vector<196xf32>
    %broadcast_in_dim3A = vector.shape_cast %reduce_sum3A_6 : vector<196xf32> to vector<1x196xf32>
    %iota3A = tpu.iota {dimensions = array<i32: 0>} : vector<196x14xi32>
    %iota3A_7 = tpu.iota {dimensions = array<i32: 1>} : vector<196x14xi32>
    %rem3A = arith.constant 14 : i32
    %rem3A_8 = vector.broadcast %rem3A : i32 to vector<196x14xi32>
    %rem3A_9 = arith.remsi %iota3A, %rem3A_8 : vector<196x14xi32>
    %eq3A = arith.cmpi eq, %rem3A_9, %iota3A_7 : vector<196x14xi32>
    %convert_element_type3A = arith.extui %eq3A : vector<196x14xi1> to vector<196x14xi32>
    %convert_element_type3A_10 = arith.sitofp %convert_element_type3A : vector<196x14xi32> to vector<196x14xf32>
    %iota3A_11 = tpu.iota {dimensions = array<i32: 1>} : vector<14x196xi32>
    %rem3A_12 = arith.constant 14 : i32
    %rem3A_13 = vector.broadcast %rem3A_12 : i32 to vector<14x196xi32>
    %rem3A_14 = arith.remsi %iota3A_11, %rem3A_13 : vector<14x196xi32>
    %iota3A_15 = tpu.iota {dimensions = array<i32: 0>} : vector<14x196xi32>
    %eq3A_16 = arith.cmpi eq, %rem3A_14, %iota3A_15 : vector<14x196xi32>
    %convert_element_type3A_17 = arith.extui %eq3A_16 : vector<14x196xi1> to vector<14x196xi32>
    %convert_element_type3A_18 = arith.sitofp %convert_element_type3A_17 : vector<14x196xi32> to vector<14x196xf32>
    %mul3A = arith.mulf %broadcast_in_dim3A, %broadcast_in_dim3A : vector<1x196xf32>
    %dot_general3A = arith.constant dense<0.000000e+00> : vector<1x14xf32>
    %dot_general3A_19 = tpu.matmul %mul3A, %convert_element_type3A_10, %dot_general3A {dimension_numbers = #tpu.dot_dimension_numbers<[1], [0], [0], [1], [0, 0, 1, 1], [], []>, precision = #tpu.contract_precision<fp32>, transpose_lhs_hint = false} : vector<1x196xf32>, vector<196x14xf32>, vector<1x14xf32> -> vector<1x14xf32>
    %sqrt3A = math.sqrt %dot_general3A_19 : vector<1x14xf32>
    %max3A_20 = arith.constant 9.99999996E-13 : f32
    %max3A_21 = vector.broadcast %max3A_20 : f32 to vector<1x14xf32>
    %max3A_22 = arith.maximumf %sqrt3A, %max3A_21 : vector<1x14xf32>
    %dot_general3A_23 = arith.constant dense<0.000000e+00> : vector<1x196xf32>
    %dot_general3A_24 = tpu.matmul %max3A_22, %convert_element_type3A_18, %dot_general3A_23 {dimension_numbers = #tpu.dot_dimension_numbers<[1], [0], [0], [1], [0, 0, 1, 1], [], []>, precision = #tpu.contract_precision<fp32>, transpose_lhs_hint = false} : vector<1x14xf32>, vector<14x196xf32>, vector<1x196xf32> -> vector<1x196xf32>
    %div3A = arith.divf %broadcast_in_dim3A, %dot_general3A_24 : vector<1x196xf32>
    %iota3A_25 = tpu.iota {dimensions = array<i32: 0>} : vector<196x196xi32>
    %iota3A_26 = tpu.iota {dimensions = array<i32: 1>} : vector<196x196xi32>
    %eq3A_27 = arith.cmpi eq, %iota3A_25, %iota3A_26 : vector<196x196xi32>
    %convert_element_type3A_28 = arith.extui %eq3A_27 : vector<196x196xi1> to vector<196x196xi32>
    %convert_element_type3A_29 = arith.sitofp %convert_element_type3A_28 : vector<196x196xi32> to vector<196x196xf32>
    %dot_general3A_30 = arith.constant dense<0.000000e+00> : vector<196x1xf32>
    %dot_general3A_31 = tpu.matmul %convert_element_type3A_29, %div3A, %dot_general3A_30 {dimension_numbers = #tpu.dot_dimension_numbers<[1], [1], [0], [0], [0, 0, 1, 0], [], []>, precision = #tpu.contract_precision<fp32>, transpose_lhs_hint = false} : vector<196x196xf32>, vector<1x196xf32>, vector<196x1xf32> -> vector<196x1xf32>
    %iota3A_32 = tpu.iota {dimensions = array<i32: 1>} : vector<196x196xi32>
    %iota3A_33 = tpu.iota {dimensions = array<i32: 0>} : vector<196x196xi32>
    %gt3A = vector.broadcast %div3A : vector<1x196xf32> to vector<196x196xf32>
    %gt3A_34 = vector.broadcast %dot_general3A_31 : vector<196x1xf32> to vector<196x196xf32>
    %gt3A_35 = arith.cmpf ogt, %gt3A, %gt3A_34 : vector<196x196xf32>
    %eq3A_36 = vector.broadcast %div3A : vector<1x196xf32> to vector<196x196xf32>
    %eq3A_37 = vector.broadcast %dot_general3A_31 : vector<196x1xf32> to vector<196x196xf32>
    %eq3A_38 = arith.cmpf oeq, %eq3A_36, %eq3A_37 : vector<196x196xf32>
    %lt3A = arith.cmpi slt, %iota3A_32, %iota3A_33 : vector<196x196xi32>
    %and3A = arith.andi %eq3A_38, %lt3A : vector<196x196xi1>
    %or3A = arith.ori %gt3A_35, %and3A : vector<196x196xi1>
    %convert_element_type3A_39 = arith.extui %or3A : vector<196x196xi1> to vector<196x196xi32>
    %convert_element_type3A_40 = arith.sitofp %convert_element_type3A_39 : vector<196x196xi32> to vector<196x196xf32>
    %broadcast_in_dim3A_41 = arith.constant 1.000000e+00 : f32
    %broadcast_in_dim3A_42 = vector.broadcast %broadcast_in_dim3A_41 : f32 to vector<196x1xf32>
    %dot_general3A_43 = arith.constant dense<0.000000e+00> : vector<196x1xf32>
    %dot_general3A_44 = tpu.matmul %convert_element_type3A_40, %broadcast_in_dim3A_42, %dot_general3A_43 {dimension_numbers = #tpu.dot_dimension_numbers<[1], [0], [0], [1], [0, 0, 1, 1], [], []>, precision = #tpu.contract_precision<fp32>, transpose_lhs_hint = false} : vector<196x196xf32>, vector<196x1xf32>, vector<196x1xf32> -> vector<196x1xf32>
    %iota3A_45 = tpu.iota {dimensions = array<i32: 1>} : vector<196x32xi32>
    %convert_element_type3A_46 = arith.fptosi %dot_general3A_44 : vector<196x1xf32> to vector<196x1xi32>
    %eq3A_47 = vector.broadcast %convert_element_type3A_46 : vector<196x1xi32> to vector<196x32xi32>
    %eq3A_48 = arith.cmpi eq, %eq3A_47, %iota3A_45 : vector<196x32xi32>
    %convert_element_type3A_49 = arith.extui %eq3A_48 : vector<196x32xi1> to vector<196x32xi32>
    %convert_element_type3A_50 = arith.sitofp %convert_element_type3A_49 : vector<196x32xi32> to vector<196x32xf32>
    %dot_general3A_51 = arith.constant dense<0.000000e+00> : vector<2048x32xf32>
    %dot_general3A_52 = tpu.matmul %get3A_3, %convert_element_type3A_50, %dot_general3A_51 {dimension_numbers = #tpu.dot_dimension_numbers<[1], [0], [0], [1], [0, 0, 1, 1], [], []>, precision = #tpu.contract_precision<fp32>, transpose_lhs_hint = false} : vector<2048x196xf32>, vector<196x32xf32>, vector<2048x32xf32> -> vector<2048x32xf32>
    %dot_general3A_53 = arith.constant dense<0.000000e+00> : vector<1x32xf32>
    %dot_general3A_54 = tpu.matmul %div3A, %convert_element_type3A_50, %dot_general3A_53 {dimension_numbers = #tpu.dot_dimension_numbers<[1], [0], [0], [1], [0, 0, 1, 1], [], []>, precision = #tpu.contract_precision<fp32>, transpose_lhs_hint = false} : vector<1x196xf32>, vector<196x32xf32>, vector<1x32xf32> -> vector<1x32xf32>
    %swap3A = arith.constant 0 : index
    %swap3A_55 = arith.constant 0 : index
    %swap3A_56 = arith.constant 0 : index
    %swap3A_57 = vector.load %arg4[%swap3A, %swap3A_55, %swap3A_56] : memref<1x2048x32xf32, #tpu.memory_space<vmem>>, vector<1x2048x32xf32>
    %swap3A_58 = vector.shape_cast %swap3A_57 : vector<1x2048x32xf32> to vector<2048x32xf32>
    %swap3A_59 = vector.shape_cast %dot_general3A_52 : vector<2048x32xf32> to vector<1x2048x32xf32>
    tpu.vector_store %arg4[%swap3A, %swap3A_55, %swap3A_56], %swap3A_59 {strides = array<i32>} : memref<1x2048x32xf32, #tpu.memory_space<vmem>>, vector<1x2048x32xf32>,
    %swap3A_60 = arith.constant 0 : index
    %swap3A_61 = arith.constant 0 : index
    %swap3A_62 = arith.constant 0 : index
    %swap3A_63 = vector.load %arg5[%swap3A_60, %swap3A_61, %swap3A_62] : memref<1x1x32xf32, #tpu.memory_space<vmem>>, vector<1x1x32xf32>
    %swap3A_64 = vector.shape_cast %swap3A_63 : vector<1x1x32xf32> to vector<1x32xf32>
    %swap3A_65 = vector.shape_cast %dot_general3A_54 : vector<1x32xf32> to vector<1x1x32xf32>
    tpu.vector_store %arg5[%swap3A_60, %swap3A_61, %swap3A_62], %swap3A_65 {strides = array<i32>} : memref<1x1x32xf32, #tpu.memory_space<vmem>>, vector<1x1x32xf32>,
    %slice3A = vector.extract_strided_slice %dot_general3A_52 {offsets = [0, 0], sizes = [2048, 1], strides = [1, 1]} : vector<2048x32xf32> to vector<2048x1xf32>
    %swap3A_66 = arith.constant 0 : index
    %swap3A_67 = arith.constant 0 : index
    %swap3A_68 = arith.constant 0 : index
    %swap3A_69 = vector.load %arg7[%swap3A_66, %swap3A_67, %swap3A_68] : memref<1x2048x1xf32, #tpu.memory_space<vmem>>, vector<1x2048x1xf32>
    %swap3A_70 = vector.shape_cast %swap3A_69 : vector<1x2048x1xf32> to vector<2048x1xf32>
    %swap3A_71 = vector.shape_cast %slice3A : vector<2048x1xf32> to vector<1x2048x1xf32>
    tpu.vector_store %arg7[%swap3A_66, %swap3A_67, %swap3A_68], %swap3A_71 {strides = array<i32>} : memref<1x2048x1xf32, #tpu.memory_space<vmem>>, vector<1x2048x1xf32>,
    %get3A_72 = arith.constant 0 : index
    %get3A_73 = arith.constant 0 : index
    %get3A_74 = arith.constant 0 : index
    %get3A_75 = vector.load %arg3[%get3A_72, %get3A_73, %get3A_74] : memref<1x2048x32xf32, #tpu.memory_space<vmem>>, vector<1x2048x32xf32>
    %get3A_76 = vector.shape_cast %get3A_75 : vector<1x2048x32xf32> to vector<2048x32xf32>
    %dot_general3A_77 = arith.constant dense<0.000000e+00> : vector<32x32xf32>
    %dot_general3A_78 = tpu.matmul %get3A_76, %dot_general3A_52, %dot_general3A_77 {dimension_numbers = #tpu.dot_dimension_numbers<[0], [0], [1], [1], [0, 1, 1, 1], [], []>, precision = #tpu.contract_precision<fp32>, transpose_lhs_hint = false} : vector<2048x32xf32>, vector<2048x32xf32>, vector<32x32xf32> -> vector<32x32xf32>
    %mul3A_79 = arith.mulf %get3A_76, %get3A_76 : vector<2048x32xf32>
    %reduce_sum3A_80 = arith.constant dense<0.000000e+00> : vector<32xf32>
    %reduce_sum3A_81 = vector.multi_reduction <add>, %mul3A_79, %reduce_sum3A_80 [0] : vector<2048x32xf32> to vector<32xf32>
    %broadcast_in_dim3A_82 = vector.shape_cast %reduce_sum3A_81 : vector<32xf32> to vector<1x32xf32>
    %sqrt3A_83 = math.sqrt %broadcast_in_dim3A_82 : vector<1x32xf32>
    %mul3A_84 = arith.mulf %dot_general3A_52, %dot_general3A_52 : vector<2048x32xf32>
    %reduce_sum3A_85 = arith.constant dense<0.000000e+00> : vector<32xf32>
    %reduce_sum3A_86 = vector.multi_reduction <add>, %mul3A_84, %reduce_sum3A_85 [0] : vector<2048x32xf32> to vector<32xf32>
    %broadcast_in_dim3A_87 = vector.shape_cast %reduce_sum3A_86 : vector<32xf32> to vector<1x32xf32>
    %sqrt3A_88 = math.sqrt %broadcast_in_dim3A_87 : vector<1x32xf32>
    %max3A_89 = arith.constant 9.99999993E-9 : f32
    %max3A_90 = vector.broadcast %max3A_89 : f32 to vector<1x32xf32>
    %max3A_91 = arith.maximumf %sqrt3A_83, %max3A_90 : vector<1x32xf32>
    %div3A_92 = arith.constant 1.000000e+00 : f32
    %div3A_93 = vector.broadcast %div3A_92 : f32 to vector<1x32xf32>
    %div3A_94 = arith.divf %div3A_93, %max3A_91 : vector<1x32xf32>
    %max3A_95 = arith.constant 9.99999993E-9 : f32
    %max3A_96 = vector.broadcast %max3A_95 : f32 to vector<1x32xf32>
    %max3A_97 = arith.maximumf %sqrt3A_88, %max3A_96 : vector<1x32xf32>
    %div3A_98 = arith.constant 1.000000e+00 : f32
    %div3A_99 = vector.broadcast %div3A_98 : f32 to vector<1x32xf32>
    %div3A_100 = arith.divf %div3A_99, %max3A_97 : vector<1x32xf32>
    %iota3A_101 = tpu.iota {dimensions = array<i32: 0>} : vector<32x32xi32>
    %iota3A_102 = tpu.iota {dimensions = array<i32: 1>} : vector<32x32xi32>
    %eq3A_103 = arith.cmpi eq, %iota3A_101, %iota3A_102 : vector<32x32xi32>
    %convert_element_type3A_104 = arith.extui %eq3A_103 : vector<32x32xi1> to vector<32x32xi32>
    %convert_element_type3A_105 = arith.sitofp %convert_element_type3A_104 : vector<32x32xi32> to vector<32x32xf32>
    %mul3A_106 = vector.broadcast %div3A_94 : vector<1x32xf32> to vector<32x32xf32>
    %mul3A_107 = arith.mulf %convert_element_type3A_105, %mul3A_106 : vector<32x32xf32>
    %dot_general3A_108 = arith.constant dense<0.000000e+00> : vector<32x32xf32>
    %dot_general3A_109 = tpu.matmul %mul3A_107, %dot_general3A_78, %dot_general3A_108 {dimension_numbers = #tpu.dot_dimension_numbers<[1], [0], [0], [1], [0, 0, 1, 1], [], []>, precision = #tpu.contract_precision<fp32>, transpose_lhs_hint = false} : vector<32x32xf32>, vector<32x32xf32>, vector<32x32xf32> -> vector<32x32xf32>
    %mul3A_110 = vector.broadcast %div3A_100 : vector<1x32xf32> to vector<32x32xf32>
    %mul3A_111 = arith.mulf %dot_general3A_109, %mul3A_110 : vector<32x32xf32>
    %swap3A_112 = arith.constant 0 : index
    %swap3A_113 = arith.constant 0 : index
    %swap3A_114 = arith.constant 0 : index
    %swap3A_115 = vector.load %arg6[%swap3A_112, %swap3A_113, %swap3A_114] : memref<1x32x32xf32, #tpu.memory_space<vmem>>, vector<1x32x32xf32>
    %swap3A_116 = vector.shape_cast %swap3A_115 : vector<1x32x32xf32> to vector<32x32xf32>
    %swap3A_117 = vector.shape_cast %mul3A_111 : vector<32x32xf32> to vector<1x32x32xf32>
    tpu.vector_store %arg6[%swap3A_112, %swap3A_113, %swap3A_114], %swap3A_117 {strides = array<i32>} : memref<1x32x32xf32, #tpu.memory_space<vmem>>, vector<1x32x32xf32>,
    return
  }
  func.func @transform_0(%arg0: i32, %arg1: memref<64xi32, #tpu.memory_space<smem>>) -> (i32, i32, i32) {
    %c0_i32 = arith.constant 0 : i32
    %c0_i32_0 = arith.constant 0 : i32
    %c0_i32_1 = arith.constant 0 : i32
    return %arg0, %c0_i32, %c0_i32_0 : i32, i32, i32
  }
  func.func @transform_1(%arg0: i32, %arg1: memref<64xi32, #tpu.memory_space<smem>>) -> (i32, i32, i32) {
    %get3A = arith.index_cast %arg0 : i32 to index
    %get3A_0 = memref.load %arg1[%get3A] : memref<64xi32, #tpu.memory_space<smem>>
    %c0_i32 = arith.constant 0 : i32
    %c0_i32_1 = arith.constant 0 : i32
    %c0_i32_2 = arith.constant 0 : i32
    return %get3A_0, %c0_i32, %c0_i32_1 : i32, i32, i32
  }
  func.func @transform_2(%arg0: i32, %arg1: memref<64xi32, #tpu.memory_space<smem>>) -> (i32, i32, i32) {
    %c0_i32 = arith.constant 0 : i32
    %c0_i32_0 = arith.constant 0 : i32
    %c0_i32_1 = arith.constant 0 : i32
    return %arg0, %c0_i32, %c0_i32_0 : i32, i32, i32
  }
  func.func @transform_3(%arg0: i32, %arg1: memref<64xi32, #tpu.memory_space<smem>>) -> (i32, i32, i32) {
    %c0_i32 = arith.constant 0 : i32
    %c0_i32_0 = arith.constant 0 : i32
    %c0_i32_1 = arith.constant 0 : i32
    return %arg0, %c0_i32, %c0_i32_0 : i32, i32, i32
  }
  func.func @transform_4(%arg0: i32, %arg1: memref<64xi32, #tpu.memory_space<smem>>) -> (i32, i32, i32) {
    %c0_i32 = arith.constant 0 : i32
    %c0_i32_0 = arith.constant 0 : i32
    %c0_i32_1 = arith.constant 0 : i32
    return %arg0, %c0_i32, %c0_i32_0 : i32, i32, i32
  }
  func.func @transform_5(%arg0: i32, %arg1: memref<64xi32, #tpu.memory_space<smem>>) -> (i32, i32, i32) {
    %c0_i32 = arith.constant 0 : i32
    %c0_i32_0 = arith.constant 0 : i32
    %c0_i32_1 = arith.constant 0 : i32
    return %arg0, %c0_i32, %c0_i32_0 : i32, i32, i32
  }
}

module attributes {stable_mosaic.version = 14 : i64} {
  func.func @_k3_body(%arg0: i32, %arg1: memref<201x64xf32, #tpu.memory_space<vmem>>, %arg2: memref<64x4096xf32, #tpu.memory_space<vmem>>, %arg3: memref<201x4096xf32, #tpu.memory_space<vmem>>) attributes {dimension_semantics = [#tpu.dimension_semantics<arbitrary>], iteration_bounds = array<i64: 16>, scalar_prefetch = 0 : i64, scratch_operands = 0 : i64, tpu.core_type = #tpu.core_type<tc>, window_params = [{pipeline_mode = #tpu.pipeline_mode<synchronous>, transform_indices = @transform_0, window_bounds = array<i64: 201, 64>}, {transform_indices = @transform_1, window_bounds = array<i64: 64, 4096>}, {transform_indices = @transform_2, window_bounds = array<i64: 201, 4096>}]} {
    %get3A = arith.constant 0 : index
    %get3A_0 = arith.constant 0 : index
    %get3A_1 = vector.load %arg1[%get3A, %get3A_0] : memref<201x64xf32, #tpu.memory_space<vmem>>, vector<201x64xf32>
    %get3A_2 = arith.constant 0 : index
    %get3A_3 = arith.constant 0 : index
    %get3A_4 = vector.load %arg2[%get3A_2, %get3A_3] : memref<64x4096xf32, #tpu.memory_space<vmem>>, vector<64x4096xf32>
    %dot_general3A = arith.constant dense<0.000000e+00> : vector<201x4096xf32>
    %dot_general3A_5 = tpu.matmul %get3A_1, %get3A_4, %dot_general3A {dimension_numbers = #tpu.dot_dimension_numbers<[1], [0], [0], [1], [0, 0, 1, 1], [], []>, precision = #tpu.contract_precision<fp32>, transpose_lhs_hint = false} : vector<201x64xf32>, vector<64x4096xf32>, vector<201x4096xf32> -> vector<201x4096xf32>
    %swap3A = arith.constant 0 : index
    %swap3A_6 = arith.constant 0 : index
    %swap3A_7 = vector.load %arg3[%swap3A, %swap3A_6] : memref<201x4096xf32, #tpu.memory_space<vmem>>, vector<201x4096xf32>
    tpu.vector_store %arg3[%swap3A, %swap3A_6], %dot_general3A_5 {strides = array<i32>} : memref<201x4096xf32, #tpu.memory_space<vmem>>, vector<201x4096xf32>,
    return
  }
  func.func @transform_0(%arg0: i32) -> (i32, i32) {
    %c0_i32 = arith.constant 0 : i32
    %c0_i32_0 = arith.constant 0 : i32
    %c0_i32_1 = arith.constant 0 : i32
    return %c0_i32, %c0_i32_0 : i32, i32
  }
  func.func @transform_1(%arg0: i32) -> (i32, i32) {
    %c0_i32 = arith.constant 0 : i32
    %c0_i32_0 = arith.constant 0 : i32
    return %c0_i32, %arg0 : i32, i32
  }
  func.func @transform_2(%arg0: i32) -> (i32, i32) {
    %c0_i32 = arith.constant 0 : i32
    %c0_i32_0 = arith.constant 0 : i32
    return %c0_i32, %arg0 : i32, i32
  }
}

module attributes {stable_mosaic.version = 14 : i64} {
  func.func @_k2_body(%arg0: memref<2048x32xf32, #tpu.memory_space<vmem>>, %arg1: memref<64x32xf32, #tpu.memory_space<vmem>>, %arg2: memref<64x32xf32, #tpu.memory_space<vmem>>, %arg3: memref<64x64xf32, #tpu.memory_space<vmem>>, %arg4: memref<201x64xf32, #tpu.memory_space<vmem>>, %arg5: memref<64x2048xf32, #tpu.memory_space<vmem>>, %arg6: memref<201x2048xf32, #tpu.memory_space<vmem>>, %arg7: memref<201x1xf32, #tpu.memory_space<vmem>>, %arg8: memref<2048x1xf32, #tpu.memory_space<vmem>>, %arg9: memref<2048x32xf32, #tpu.memory_space<vmem>>, %arg10: memref<201x64xf32, #tpu.memory_space<vmem>>, %arg11: memref<201x2048xf32, #tpu.memory_space<vmem>>) attributes {dimension_semantics = [], scalar_prefetch = 0 : i64, scratch_operands = 0 : i64, tpu.core_type = #tpu.core_type<tc>} {
    %get3A = arith.constant 0 : index
    %get3A_0 = arith.constant 0 : index
    %get3A_1 = vector.load %arg0[%get3A, %get3A_0] : memref<2048x32xf32, #tpu.memory_space<vmem>>, vector<2048x32xf32>
    %div3A = arith.constant 5.000000e-02 : f32
    %div3A_2 = vector.broadcast %div3A : f32 to vector<2048x32xf32>
    %div3A_3 = arith.divf %get3A_1, %div3A_2 : vector<2048x32xf32>
    %exp3A = math.exp %div3A_3 : vector<2048x32xf32>
    %get3A_4 = arith.constant 0 : index
    %get3A_5 = arith.constant 0 : index
    %get3A_6 = vector.load %arg1[%get3A_4, %get3A_5] : memref<64x32xf32, #tpu.memory_space<vmem>>, vector<64x32xf32>
    %max3A = arith.constant 0.000000e+00 : f32
    %max3A_7 = vector.broadcast %max3A : f32 to vector<64x32xf32>
    %max3A_8 = arith.maximumf %get3A_6, %max3A_7 : vector<64x32xf32>
    %reduce_sum3A = arith.constant dense<0.000000e+00> : vector<64xf32>
    %reduce_sum3A_9 = vector.multi_reduction <add>, %max3A_8, %reduce_sum3A [1] : vector<64x32xf32> to vector<64xf32>
    %broadcast_in_dim3A = vector.shape_cast %reduce_sum3A_9 : vector<64xf32> to vector<64x1xf32>
    %add3A = arith.constant 9.99999993E-9 : f32
    %add3A_10 = vector.broadcast %add3A : f32 to vector<64x1xf32>
    %add3A_11 = arith.addf %broadcast_in_dim3A, %add3A_10 : vector<64x1xf32>
    %div3A_12 = vector.broadcast %add3A_11 : vector<64x1xf32> to vector<64x32xf32>
    %div3A_13 = arith.divf %max3A_8, %div3A_12 : vector<64x32xf32>
    %get3A_14 = arith.constant 0 : index
    %get3A_15 = arith.constant 0 : index
    %get3A_16 = vector.load %arg2[%get3A_14, %get3A_15] : memref<64x32xf32, #tpu.memory_space<vmem>>, vector<64x32xf32>
    %max3A_17 = arith.constant 0.000000e+00 : f32
    %max3A_18 = vector.broadcast %max3A_17 : f32 to vector<64x32xf32>
    %max3A_19 = arith.maximumf %get3A_16, %max3A_18 : vector<64x32xf32>
    %reduce_sum3A_20 = arith.constant dense<0.000000e+00> : vector<64xf32>
    %reduce_sum3A_21 = vector.multi_reduction <add>, %max3A_19, %reduce_sum3A_20 [1] : vector<64x32xf32> to vector<64xf32>
    %broadcast_in_dim3A_22 = vector.shape_cast %reduce_sum3A_21 : vector<64xf32> to vector<64x1xf32>
    %add3A_23 = arith.constant 9.99999993E-9 : f32
    %add3A_24 = vector.broadcast %add3A_23 : f32 to vector<64x1xf32>
    %add3A_25 = arith.addf %broadcast_in_dim3A_22, %add3A_24 : vector<64x1xf32>
    %div3A_26 = vector.broadcast %add3A_25 : vector<64x1xf32> to vector<64x32xf32>
    %div3A_27 = arith.divf %max3A_19, %div3A_26 : vector<64x32xf32>
    %iota3A = tpu.iota {dimensions = array<i32: 0>} : vector<2048x64xi32>
    %iota3A_28 = tpu.iota {dimensions = array<i32: 1>} : vector<2048x64xi32>
    %div3A_29 = arith.constant 32 : i32
    %div3A_30 = vector.broadcast %div3A_29 : i32 to vector<2048x64xi32>
    %div3A_31 = arith.divsi %iota3A, %div3A_30 : vector<2048x64xi32>
    %eq3A = arith.cmpi eq, %div3A_31, %iota3A_28 : vector<2048x64xi32>
    %convert_element_type3A = arith.extui %eq3A : vector<2048x64xi1> to vector<2048x64xi32>
    %convert_element_type3A_32 = arith.sitofp %convert_element_type3A : vector<2048x64xi32> to vector<2048x64xf32>
    %iota3A_33 = tpu.iota {dimensions = array<i32: 0>} : vector<2048x32xi32>
    %iota3A_34 = tpu.iota {dimensions = array<i32: 1>} : vector<2048x32xi32>
    %rem3A = arith.constant 32 : i32
    %rem3A_35 = vector.broadcast %rem3A : i32 to vector<2048x32xi32>
    %rem3A_36 = arith.remsi %iota3A_33, %rem3A_35 : vector<2048x32xi32>
    %eq3A_37 = arith.cmpi eq, %rem3A_36, %iota3A_34 : vector<2048x32xi32>
    %convert_element_type3A_38 = arith.extui %eq3A_37 : vector<2048x32xi1> to vector<2048x32xi32>
    %convert_element_type3A_39 = arith.sitofp %convert_element_type3A_38 : vector<2048x32xi32> to vector<2048x32xf32>
    %dot_general3A = arith.constant dense<0.000000e+00> : vector<2048x32xf32>
    %dot_general3A_40 = tpu.matmul %convert_element_type3A_32, %div3A_27, %dot_general3A {dimension_numbers = #tpu.dot_dimension_numbers<[1], [0], [0], [1], [0, 0, 1, 1], [], []>, precision = #tpu.contract_precision<fp32>, transpose_lhs_hint = false} : vector<2048x64xf32>, vector<64x32xf32>, vector<2048x32xf32> -> vector<2048x32xf32>
    %mul3A = arith.mulf %dot_general3A_40, %convert_element_type3A_39 : vector<2048x32xf32>
    %reduce_sum3A_41 = arith.constant dense<0.000000e+00> : vector<2048xf32>
    %reduce_sum3A_42 = vector.multi_reduction <add>, %mul3A, %reduce_sum3A_41 [1] : vector<2048x32xf32> to vector<2048xf32>
    %broadcast_in_dim3A_43 = vector.shape_cast %reduce_sum3A_42 : vector<2048xf32> to vector<2048x1xf32>
    %broadcast_in_dim3A_44 = arith.constant 1.000000e+00 : f32
    %broadcast_in_dim3A_45 = vector.broadcast %broadcast_in_dim3A_44 : f32 to vector<2048x1xf32>
    %broadcast_in_dim3A_46 = arith.constant 1.000000e+00 : f32
    %broadcast_in_dim3A_47 = vector.broadcast %broadcast_in_dim3A_46 : f32 to vector<64x32xf32>
    %scan3A = arith.constant 0 : i32
    %scan3A_48 = arith.constant 50 : i32
    %scan3A_49 = arith.addi %scan3A, %scan3A_48 : i32
    %scan3A_50 = arith.constant 1 : i32
    %scan3A_51:2 = scf.for %scan3A_101 = %scan3A to %scan3A_49 step %scan3A_50 iter_args(%scan3A_102 = %broadcast_in_dim3A_45, %scan3A_103 = %broadcast_in_dim3A_47) -> (vector<2048x1xf32>, vector<64x32xf32>)  : i32 {
      %mul3A_104 = vector.broadcast %scan3A_102 : vector<2048x1xf32> to vector<2048x32xf32>
      %mul3A_105 = arith.mulf %exp3A, %mul3A_104 : vector<2048x32xf32>
      %dot_general3A_106 = arith.constant dense<0.000000e+00> : vector<64x32xf32>
      %dot_general3A_107 = tpu.matmul %convert_element_type3A_32, %mul3A_105, %dot_general3A_106 {dimension_numbers = #tpu.dot_dimension_numbers<[0], [0], [1], [1], [0, 1, 1, 1], [], []>, precision = #tpu.contract_precision<fp32>, transpose_lhs_hint = false} : vector<2048x64xf32>, vector<2048x32xf32>, vector<64x32xf32> -> vector<64x32xf32>
      %add3A_108 = arith.constant 9.99999993E-9 : f32
      %add3A_109 = vector.broadcast %add3A_108 : f32 to vector<64x32xf32>
      %add3A_110 = arith.addf %dot_general3A_107, %add3A_109 : vector<64x32xf32>
      %div3A_111 = arith.divf %div3A_13, %add3A_110 : vector<64x32xf32>
      %dot_general3A_112 = arith.constant dense<0.000000e+00> : vector<2048x32xf32>
      %dot_general3A_113 = tpu.matmul %convert_element_type3A_32, %div3A_111, %dot_general3A_112 {dimension_numbers = #tpu.dot_dimension_numbers<[1], [0], [0], [1], [0, 0, 1, 1], [], []>, precision = #tpu.contract_precision<fp32>, transpose_lhs_hint = false} : vector<2048x64xf32>, vector<64x32xf32>, vector<2048x32xf32> -> vector<2048x32xf32>
      %mul3A_114 = arith.mulf %exp3A, %dot_general3A_113 : vector<2048x32xf32>
      %reduce_sum3A_115 = arith.constant dense<0.000000e+00> : vector<2048xf32>
      %reduce_sum3A_116 = vector.multi_reduction <add>, %mul3A_114, %reduce_sum3A_115 [1] : vector<2048x32xf32> to vector<2048xf32>
      %broadcast_in_dim3A_117 = vector.shape_cast %reduce_sum3A_116 : vector<2048xf32> to vector<2048x1xf32>
      %add3A_118 = arith.constant 9.99999993E-9 : f32
      %add3A_119 = vector.broadcast %add3A_118 : f32 to vector<2048x1xf32>
      %add3A_120 = arith.addf %broadcast_in_dim3A_117, %add3A_119 : vector<2048x1xf32>
      %div3A_121 = arith.divf %broadcast_in_dim3A_43, %add3A_120 : vector<2048x1xf32>
      scf.yield %div3A_121, %div3A_111 : vector<2048x1xf32>, vector<64x32xf32>
    }
    %dot_general3A_52 = arith.constant dense<0.000000e+00> : vector<2048x32xf32>
    %dot_general3A_53 = tpu.matmul %convert_element_type3A_32, %scan3A_51#1, %dot_general3A_52 {dimension_numbers = #tpu.dot_dimension_numbers<[1], [0], [0], [1], [0, 0, 1, 1], [], []>, precision = #tpu.contract_precision<fp32>, transpose_lhs_hint = false} : vector<2048x64xf32>, vector<64x32xf32>, vector<2048x32xf32> -> vector<2048x32xf32>
    %mul3A_54 = vector.broadcast %scan3A_51#0 : vector<2048x1xf32> to vector<2048x32xf32>
    %mul3A_55 = arith.mulf %mul3A_54, %exp3A : vector<2048x32xf32>
    %mul3A_56 = arith.mulf %mul3A_55, %dot_general3A_53 : vector<2048x32xf32>
    %mul3A_57 = arith.constant 3.200000e+01 : f32
    %mul3A_58 = vector.broadcast %mul3A_57 : f32 to vector<2048x32xf32>
    %mul3A_59 = arith.mulf %mul3A_56, %mul3A_58 : vector<2048x32xf32>
    %get3A_60 = arith.constant 0 : index
    %get3A_61 = arith.constant 0 : index
    %get3A_62 = vector.load %arg8[%get3A_60, %get3A_61] : memref<2048x1xf32, #tpu.memory_space<vmem>>, vector<2048x1xf32>
    %mul3A_63 = vector.broadcast %get3A_62 : vector<2048x1xf32> to vector<2048x32xf32>
    %mul3A_64 = arith.mulf %mul3A_59, %mul3A_63 : vector<2048x32xf32>
    %swap3A = arith.constant 0 : index
    %swap3A_65 = arith.constant 0 : index
    %swap3A_66 = vector.load %arg9[%swap3A, %swap3A_65] : memref<2048x32xf32, #tpu.memory_space<vmem>>, vector<2048x32xf32>
    tpu.vector_store %arg9[%swap3A, %swap3A_65], %mul3A_64 {strides = array<i32>} : memref<2048x32xf32, #tpu.memory_space<vmem>>, vector<2048x32xf32>,
    %get3A_67 = arith.constant 0 : index
    %get3A_68 = arith.constant 0 : index
    %get3A_69 = vector.load %arg4[%get3A_67, %get3A_68] : memref<201x64xf32, #tpu.memory_space<vmem>>, vector<201x64xf32>
    %get3A_70 = arith.constant 0 : index
    %get3A_71 = arith.constant 0 : index
    %get3A_72 = vector.load %arg3[%get3A_70, %get3A_71] : memref<64x64xf32, #tpu.memory_space<vmem>>, vector<64x64xf32>
    %dot_general3A_73 = arith.constant dense<0.000000e+00> : vector<201x64xf32>
    %dot_general3A_74 = tpu.matmul %get3A_69, %get3A_72, %dot_general3A_73 {dimension_numbers = #tpu.dot_dimension_numbers<[1], [0], [0], [1], [0, 0, 1, 1], [], []>, precision = #tpu.contract_precision<fp32>, transpose_lhs_hint = false} : vector<201x64xf32>, vector<64x64xf32>, vector<201x64xf32> -> vector<201x64xf32>
    %swap3A_75 = arith.constant 0 : index
    %swap3A_76 = arith.constant 0 : index
    %swap3A_77 = vector.load %arg10[%swap3A_75, %swap3A_76] : memref<201x64xf32, #tpu.memory_space<vmem>>, vector<201x64xf32>
    tpu.vector_store %arg10[%swap3A_75, %swap3A_76], %dot_general3A_74 {strides = array<i32>} : memref<201x64xf32, #tpu.memory_space<vmem>>, vector<201x64xf32>,
    %get3A_78 = arith.constant 0 : index
    %get3A_79 = arith.constant 0 : index
    %get3A_80 = vector.load %arg5[%get3A_78, %get3A_79] : memref<64x2048xf32, #tpu.memory_space<vmem>>, vector<64x2048xf32>
    %dot_general3A_81 = arith.constant dense<0.000000e+00> : vector<201x2048xf32>
    %dot_general3A_82 = tpu.matmul %get3A_69, %get3A_80, %dot_general3A_81 {dimension_numbers = #tpu.dot_dimension_numbers<[1], [0], [0], [1], [0, 0, 1, 1], [], []>, precision = #tpu.contract_precision<fp32>, transpose_lhs_hint = false} : vector<201x64xf32>, vector<64x2048xf32>, vector<201x2048xf32> -> vector<201x2048xf32>
    %mul3A_83 = arith.constant 8.000000e-01 : f32
    %mul3A_84 = vector.broadcast %mul3A_83 : f32 to vector<201x2048xf32>
    %mul3A_85 = arith.mulf %mul3A_84, %dot_general3A_82 : vector<201x2048xf32>
    %get3A_86 = arith.constant 0 : index
    %get3A_87 = arith.constant 0 : index
    %get3A_88 = vector.load %arg7[%get3A_86, %get3A_87] : memref<201x1xf32, #tpu.memory_space<vmem>>, vector<201x1xf32>
    %mul3A_89 = arith.constant 2.000000e-01 : f32
    %mul3A_90 = vector.broadcast %mul3A_89 : f32 to vector<201x1xf32>
    %mul3A_91 = arith.mulf %mul3A_90, %get3A_88 : vector<201x1xf32>
    %get3A_92 = arith.constant 0 : index
    %get3A_93 = arith.constant 0 : index
    %get3A_94 = vector.load %arg6[%get3A_92, %get3A_93] : memref<201x2048xf32, #tpu.memory_space<vmem>>, vector<201x2048xf32>
    %mul3A_95 = vector.broadcast %mul3A_91 : vector<201x1xf32> to vector<201x2048xf32>
    %mul3A_96 = arith.mulf %mul3A_95, %get3A_94 : vector<201x2048xf32>
    %add3A_97 = arith.addf %mul3A_85, %mul3A_96 : vector<201x2048xf32>
    %swap3A_98 = arith.constant 0 : index
    %swap3A_99 = arith.constant 0 : index
    %swap3A_100 = vector.load %arg11[%swap3A_98, %swap3A_99] : memref<201x2048xf32, #tpu.memory_space<vmem>>, vector<201x2048xf32>
    tpu.vector_store %arg11[%swap3A_98, %swap3A_99], %add3A_97 {strides = array<i32>} : memref<201x2048xf32, #tpu.memory_space<vmem>>, vector<201x2048xf32>,
    return
  }
}

</mosaic_0001>

<sc_bundles>
// kernel: sparse-core-data-format-call.cloned.1.call-start
scs
called_computation_lowered:
.L_overlay_start_0:
0x0: {  	s2 =	sld [smem:$0x3FD9]  }
0x1: {  	s3 =	sld [smem:$0x3FFE];
	_ =	sdelay $0x1  }
0x2: {  	s1 =	srdreg.scid  }
0x3: {  	s0 =	sand.u32 $0x1, s1  }
0x4: {  	s15 =	sshll.u32 s0, $0xA;
	s2 =	sadd.s32 s3, s2  }
0x5: {  	s2 =	sadd.s32 s2, s15  }
0x6: {  	[smem:$0x3FC1] =	sst s2  }
0x7: {  	_ = 	snop  }
0x8: {  	s2 =	sld [smem:$0x3FD0];
	_ =	sdelay $0x2  }
0x9: {  	s16 =	simm.s32 $0xA;
	s4 =	simm.s32 $0x10  }
0xa: {  	[smem:s4], [sflag:s16] =	dma.local [hbm:s2], $0x1  }
0xb: {  	_ =	swait.eq [sflag:s16], $0x1  }
0xc: {  	[sflag:s16] =	ssyncset.done $0x0  }
0xd: {  	[sflag:s16] =	ssyncadd.s32 $0xFFFFFFFF  }
0xe: {  	s17 =	sld [smem:$0x11];
	(tm) =	ssettm $0x1  }
0xf: {  	s18 =	sld [smem:$0x3FFB];
	_ =	sdelay $0x3  }
0x10: {  	_ =	strace s18  }
0x11: {  	s3 =	sld [smem:$0x3FFC];
	_ =	sdelay $0x3  }
0x12: {  	_ =	strace s3  }
0x13: {  	s3 =	sld [smem:$0x3FFD];
	_ =	sdelay $0x3  }
0x14: {  	_ =	strace s3  }
0x15: {  	_ =	strace $0x8FFFFFFF  }
0x16: {  	s19 =	sld [smem:$0x3FDB];
	_ =	sdelay $0x1  }
0x17: {  	s20 =	simm.s32 $_scs_section_size  }
0x18: {  	s5 =	simm.s32 $_size__tile_overlayer_lowered;
	s6 =	simm.s32 $_tile_overlayer_lowered  }
0x19: {  	s23 =	simm.s32 $0x1BFF;
	s22 =	sshll.u32 s6, $0x1;
	s3 =	sadd.s32 s20, s19  }
0x1a: {  	s7 =	simm.s32 $0x0;
	s21 =	sshll.u32 s5, $0x1;
	s5 =	sadd.s32 s22, s3  }
0x1b: {  	[timem:s7], [sflag:s23] =	dma.local [hbm:s5], s21  }
0x1c: {  	_ =	swait.ge [sflag:s23], s21  }
0x1d: {  	s4 =	ssub.s32 $0x0, s21;
	[sflag:s23] =	ssyncset.done $0x0  }
0x1e: {  	[sflag:s23] =	ssyncadd.s32 s4;
	_ =	sdelay $0x1  }
0x1f: {  	s24 =	simm.s32 $0x1B8B  }
0x20: {  	_ =	swait.ge [sflag:s24], $0x1  }
0x21: {  	[sflag:s24] =	ssyncset.done $0x0  }
0x22: {  	s26 =	simm.s32 $0x1B8E;
	s25 =	sld [smem:$0x3FFE];
	[sflag:s24] =	ssyncadd.s32 $0xFFFFFFFF  }
0x23: {  	s27 =	simm.s32 $execute0_lowered;
	[smem:$0x3FD2] =	sst s26  }
0x24: {  	s5 =	sshll.u32 s27, $0x1;
	_ =	strace $0x80000046;
	[dreg:$0x1] =	wrdreg $0xFFFFFFFF  }
0x25: {  	s28 =	simm.s32 $_size_execute0_lowered;
	s3 =	sadd.s32 s3, s5;
	[dreg:$0x0] =	wrdreg $0x0  }
0x26: {  	s5 =	sshll.u32 s28, $0x1;
	[dreg:$0x2] =	wrdreg s3  }
0x27: {  	[dreg:$0x3] =	wrdreg s5  }
0x28: {  	[dreg:$0x4] =	wrdreg $0xC0  }
0x29: {  	_ =	task [dreg:s7], $0x5FFFF  }
0x2a: {  	[dreg:$0x1] =	wrdreg $0xFFFFFFFF  }
0x2b: {  	[dreg:$0x0] =	wrdreg $0x60  }
0x2c: {  	[dreg:$0x2] =	wrdreg s25  }
0x2d: {  	[dreg:$0x3] =	wrdreg s17  }
0x2e: {  	[dreg:$0x4] =	wrdreg $0x9  }
0x2f: {  	_ =	task.clear_ibuf [dreg:s7], $0x5FFFF;
	_ =	strace $0x90000046  }
0x30: {  	s29 =	simm.s32 $0x9;
	_ =	strace $0x80000048  }
0x31: {  	_ =	swait.ge [sflag:s29], $0x1  }
0x32: {  	[sflag:s29] =	ssyncadd.s32 $0xFFFFFFFF  }
0x33: {  	_ =	strace $0x90000048  }
0x34: {  	_ =	sfence  }
0x35: {  	s30 =	sld [smem:$0x0];
	_ =	sdelay $0x2  }
0x36: {  	s31 =	sshll.u32 s1, $0xD;
	s1 =	sshrl.u32 s1, $0x2  }
0x37: {  	s3 =	sand.u32 $0x4000, s31;
	s1 =	sadd.s32 s1, s30  }
0x38: {  	s0 =	sor.u32 s3, s0;
	s1 =	sshll.u32 s1, $0x11  }
0x39: {  	s0 =	sor.u32 s1, s0  }
0x3a: {  	s0 =	sadd.s32 $0x8F2B, s0  }
0x3b: {  	[sflag:s0] =	ssyncadd.remote.s32 $0x1  }
0x3c: {  	_ =	sfence.sel $0xFFFF  }
0x3d: {  	[dreg:$0x0] =	wrdreg $0xFFFFFFFF;
	(pc) =	sbr.abs _section_cstart, $3  }
0x3e: {  	[dreg:$0x1] =	wrdreg $0xFFFFFFFF  }
0x3f: {  	_ =	task.clear_ibuf [dreg:s7], $0x2FFFF;
	_ =	strace $0x9FFFFFFF  }
0x40: {  	(tm) =	ssettm $0x7FFFFFFF  }
0x41: {  	_ =	shalt  }
tec
execute0_lowered:
.L_overlay_start_1:
0x0: {  	(tag) =	ssettag $0x1  }
0x1: {  	s2 =	rddreg [dreg:$0x0]  }
0x2: {  	s0 =	stileid.u32;
	s3 =	rddreg [dreg:$0x1]  }
0x3: {  	s1 =	rddreg [dreg:$0x2];
	s5 =	srdreg.scid  }
0x4: {  	_ =	strace $0x80000047;
	s31 =	simm.s32 $0x2;
	s17 =	simm.s32 $0x0  }
0x5: {  	s19 =	simm.s32 $0x0;
	s18 =	simm.s32 $0x0;
	s11 =	simm.s32 $0x0  }
0x6: {  	s12 =	simm.s32 $0x0;
	s13 =	simm.s32 $0x0;
	s4 =	sshll.u32 s0, $0x7  }
0x7: {  	s16 =	simm.s32 $0x0;
	s5 =	sand.u32 $0x1, s5;
	s6 =	ssub.s32 $0x800, s4  }
0x8: {  	s8 =	ssub.s32 $0x20, s5;
	s14 =	smov.u32 s5;
	s7 =	sand.u32 $0x780, s6  }
0x9: {  	s9 =	sshrl.u32 s6, $0xB;
	p0 =	sne.s32 s7, $0x0;
	s7 =	simm.s32 $0x1  }
.Ltmp0:
0xa: {  	s10 =	sshrl.u32 s8, $0x1;
	s7 =	simm.s32 @!p0 $0x0;
	(pc) =	sbr.rel .LBB1_1-.Ltmp0, $4  }
0xb: {  	s6 =	simm.s32 $0x1;
	s8 =	ssub.s32 s8, s10;
	s7 =	sadd.s32 s7, s9  }
0xc: {  	s15 =	smov.u32 s4;
	[sflag:s6] =	ssyncpa.u1 $0x0;
	s8 =	smul.u32 s7, s8  }
0xd: {  	s10 =	simm.s32 $0x0;
	[sflag:s31] =	ssyncpa.u1 $0x0;
	p0 =	por $0x0, $0x0  }
0xe: {  	s9 =	simm.s32 $0x10000;
	s7 =	sshll.u32 s8, $0x1;
	s8 =	sshllo.u32 s8, $0x1  }
.LBB1_4:
0xf: {  	s24 =	sshra.s32 s24, $0x2;
	s25 =	sshll.u32 s12, $0x3  }
0x10: {  	s29 =	sand.u32 $0x78, s12;
	p2 =	sgt.s32 s11, $0x1F;
	s27 =	sshra.s32 s11, $0x1F  }
0x11: {  	p1 =	sgt.s32 s10, $0x49;
	s28 =	sshra.s32 s12, $0x1F;
	s26 =	sand.u32 $0x400, s25  }
0x12: {  	s23 =	sadd.s32 s24, s23;
	s24 =	sor.u32 s29, s26;
	s26 =	smov.u32 s11  }
0x13: {  	s30 =	sshra.s32 s10, $0x1F;
	s27 =	sand.u32 s27, s11;
	s26 =	simm.s32 @!p2 $0x1F  }
0x14: {  	s28 =	sand.u32 s28, s12;
	s25 =	sand.u32 $0xFC00, s25;
	s26 =	ssub.s32 s26, s27  }
0x15: {  	v5 =	vld [tilespmem:s21+$0xFFFFFFD0];
	p2 =	sgt.s32 s12, $0x780;
	s27 =	smov.u32 s12;
	s29 =	sadd.s32 $0xFFFFFFE1, s26  }
0x16: {  	[tilespmem:s22+$0x2040 ss:$0x81] =	vst.msk $0xffff, v4;
	v58 =	vld [tilespmem:s21+$0xFFFFFFE0];
	s27 =	simm.s32 @!p2 $0x780;
	s26 =	ssub.s32 $0x20, s26;
	p2 =	sgt.s32 s29, $0x0  }
0x17: {  	[tilespmem:s22+$0x2850 ss:$0x81] =	vst.msk $0xffff, v3;
	v59 =	vld [tilespmem:s21+$0xFFFFFFF0];
	s29 =	smov.u32 s10;
	s27 =	ssub.s32 s27, s28;
	s28 =	sand.u32 s30, s10  }
0x18: {  	[tilespmem:s22+$0x3060 ss:$0x81] =	vst.msk $0xffff, v2;
	v60 =	vld [tilespmem:s21+$0x0];
	s30 =	sshll.u32 s11, $0xB;
	s29 =	simm.s32 @!p1 $0x49;
	s26 =	simm.s32 @p2 $0x0  }
0x19: {  	[tilespmem:s22+$0x0 ss:$0x81] =	vst.msk $0xffff, v1;
	v61 =	vld [tilespmem:s21+$0x10];
	s31 =	sadd.s32 $0xFFFFF880, s27;
	s27 =	ssub.s32 $0x800, s27;
	s22 =	sand.u32 $0xC000, s30  }
0x1a: {  	v62 =	vld [tilespmem:s21+$0x20];
	[tilespmem:s23+$0x3870 ss:$0x81] =	vst.msk $0xffff, v0;
	s28 =	ssub.s32 s29, s28;
	p1 =	sgt.s32 s31, $0x7F;
	s31 =	sshll.u32 s11, $0x7  }
0x1b: {  	v63 =	vld [tilespmem:s21+$0xFFFFFFC0];
	[tilespmem:s23+$0x810 ss:$0x81] =	vst.msk $0xffff, v5;
	s21 =	sadd.s32 s25, s22;
	s29 =	sadd.s32 $0xFFFFFFB7, s28;
	s27 =	simm.s32 @p1 $0x0  }
0x1c: {  	[tilespmem:s23+$0x1020 ss:$0x81] =	vst.msk $0xffff, v58;
	p1 =	sgt.s32 s29, $0x7F;
	s26 =	smul.u32 s27, s26;
	s27 =	ssub.s32 $0xC9, s28  }
0x1d: {  	[tilespmem:s23+$0x1830 ss:$0x81] =	vst.msk $0xffff, v59;
	s21 =	sshrl.u32 s21, $0x3;
	s29 =	sand.u32 $0x380, s31;
	s27 =	simm.s32 @p1 $0x0  }
0x1e: {  	[tilespmem:s23+$0x2040 ss:$0x81] =	vst.msk $0xffff, v60;
	s21 =	sand.u32 $0x1F00, s21;
	s31 =	smul.u32 s27, s26;
	s27 =	sshll.u32 s10, $0xD  }
0x1f: {  	[tilespmem:s23+$0x2850 ss:$0x81] =	vst.msk $0xffff, v61;
	s28 =	sand.u32 $0x7, s12;
	s30 =	sor.u32 s29, s24;
	s25 =	sadd.s32 s3, s27  }
0x20: {  	[tilespmem:s23+$0x3060 ss:$0x81] =	vst.msk $0xffff, v62;
	s29 =	sshll.u32 s28, $0x12;
	s22 =	sshrl.u32 s30, $0x3;
	s21 =	sadd.s32 s21, s25  }
0x21: {  	[tilespmem:s23+$0x0 ss:$0x81] =	vst.msk $0xffff, v63;
	s30 =	sand.u32 $0x3FFFFFFF, s31;
	s31 =	sor.u32 $0x80, s29;
	s21 =	sadd.s32 s22, s21  }
0x22: {  	[hbm4b:s21+s31] =	stream.strided.scatter [tilespmem:s20], [sflag:$0x2], s30, s9, s31, $0x20;
	[tilespmem:$0x10100] =	vst v63  }
.LBB1_5:
0x23: {  	p1 =	slt.u32 s16, $0x2;
	s21 =	smov.u32 s19  }
0x24: {  	p2 =	sgt.s32 @!p1 s17, $0x49;
	s20 =	sshra.s32 @!p1 s17, $0x1F;
	p3 =	sgt.s32 @!p1 s19, $0x1F  }
0x25: {  	s22 =	sshra.s32 @!p1 s19, $0x1F;
	p2 =	por !p2, p1;
	s20 =	sand.u32 @!p1 s20, s17  }
0x26: {  	p3 =	por !p3, p1;
	s19 =	sand.u32 @!p1 s22, s19;
	s22 =	sshra.s32 @!p1 s18, $0x1F  }
0x27: {  	s21 =	simm.s32 @p3 $0x1F;
	p3 =	sgt.s32 @!p1 s18, $0x780;
	s17 =	simm.s32 @p2 $0x49  }
0x28: {  	s19 =	ssub.s32 @!p1 s21, s19;
	p3 =	por !p3, p1;
	s21 =	smov.u32 s18  }
0x29: {  	s18 =	sand.u32 @!p1 s22, s18;
	s17 =	ssub.s32 @!p1 s17, s20;
	s21 =	simm.s32 @p3 $0x780  }
0x2a: {  	s20 =	sadd.s32 @!p1 $0xFFFFFFE1, s19;
	s19 =	ssub.s32 @!p1 $0x20, s19;
	s18 =	ssub.s32 @!p1 s21, s18  }
0x2b: {  	s21 =	sadd.s32 @!p1 $0xFFFFFFB7, s17;
	p2 =	sgt.s32 @!p1 s20, $0x0;
	s20 =	sadd.s32 @!p1 $0xFFFFF880, s18  }
0x2c: {  	s17 =	ssub.s32 @!p1 $0xC9, s17;
	p2 =	por !p2, p1;
	p3 =	sgt.s32 @!p1 s20, $0x7F  }
0x2d: {  	s18 =	ssub.s32 @!p1 $0x800, s18;
	s19 =	simm.s32 @!p2 $0x0;
	p2 =	por !p3, p1  }
0x2e: {  	s20 =	sadd.s32 $0x80, s13;
	p3 =	sgt.s32 @!p1 s21, $0x7F;
	s18 =	simm.s32 @!p2 $0x0  }
0x2f: {  	s21 =	smov.u32 s14;
	p2 =	por !p3, p1;
	s18 =	smul.u32 @!p1 s18, s19  }
0x30: {  	s17 =	simm.s32 @!p2 $0x0;
	p2 =	sgt.s32 s20, $0xC8;
	s19 =	sadd.s32 $0x2, s14  }
0x31: {  	s22 =	smov.u32 s15;
	s21 =	smov.u32 @p2 s19  }
0x32: {  	s17 =	smul.u32 @!p1 s17, s18;
	p3 =	sgt.s32 s21, $0x1F;
	s18 =	sadd.s32 $0x800, s15  }
0x33: {  	p0 =	por !p0, !p0;
	s23 =	simm.s32 @!p1 $0x2;
	s22 =	smov.u32 @p3 s18  }
0x34: {  	s20 =	simm.s32 @p2 $0x0;
	s19 =	smov.u32 s11;
	p2 =	sgt.s32 s22, $0x7FF  }
0x35: {  	s11 =	smov.u32 s14;
	s22 =	smov.u32 @p2 s4;
	p2 =	sne.s32 s16, s8  }
.Ltmp1:
0x36: {  	s21 =	smov.u32 @p3 s5;
	s18 =	smov.u32 s12;
	(pc) =	sbr.rel @!p2 .LBB1_6-.Ltmp1, $4  }
0x37: {  	s12 =	smov.u32 s15;
	s17 =	sand.u32 @!p1 $0x3FFFFFFF, s17;
	s14 =	smov.u32 s21  }
0x38: {  	_ =	swait.ge @!p1 [sflag:s23], s17;
	s24 =	ssub.s32 @!p1 $0x0, s17;
	s17 =	smov.u32 s10  }
0x39: {  	s16 =	sadd.s32 $0x1, s16;
	s10 =	smov.u32 s13;
	[sflag:s23] =	ssyncset.done @!p1 $0x0  }
0x3a: {  	s13 =	smov.u32 s20;
	s15 =	smov.u32 s22;
	[sflag:s23] =	ssyncadd.s32 @!p1 s24  }
.LBB1_1:
0x3b: {  	p1 =	sge.u32 s16, s7  }
0x3c: {  	s31 =	sadd.s32 $0xFFFFFFFF, s16;
	s20 =	sxor.u32 @!p1 $0xFFFFFFFF, s16  }
0x3d: {  	s21 =	sshll.u32 @!p1 s14, $0x8;
	s22 =	sshll.u32 @!p1 s13, $0x3;
	s23 =	sshll.u32 @!p1 s14, $0x7  }
0x3e: {  	s24 =	sand.u32 @!p1 $0x78, s13;
	s21 =	sand.u32 @!p1 $0x1800, s21;
	s22 =	sand.u32 @!p1 $0x1C00, s22  }
0x3f: {  	s20 =	sshll.u32 @!p1 s20, $0xE;
	s21 =	sadd.s32 @!p1 s21, s22;
	s22 =	sand.u32 @!p1 $0x300, s23  }
0x40: {  	s20 =	sand.u32 @!p1 $0x4000, s20;
	s21 =	sor.u32 @!p1 s22, s21;
	s22 =	sand.u32 @!p1 $0x80, s23  }
0x41: {  	s23 =	sshll.u32 @!p1 s15, $0xA;
	s22 =	sor.u32 @!p1 s24, s22;
	s21 =	sshrl.u32 @!p1 s21, $0x3  }
0x42: {  	s23 =	sadd.s32 @!p1 s2, s23;
	s24 =	sand.u32 @!p1 $0x7, s13;
	s22 =	sshrl.u32 @!p1 s22, $0x3  }
0x43: {  	s21 =	sand.u32 @!p1 $0x3E0, s21;
	s22 =	sadd.s32 @!p1 s22, s23;
	s23 =	sshll.u32 @!p1 s24, $0x12  }
0x44: {  	s21 =	sadd.s32 @!p1 s21, s22;
	s22 =	sor.u32 @!p1 $0x80, s23;
	s23 =	simm.s32 @!p1 $0x2000  }
0x45: {  	[tilespmem:s20], [sflag:$0x1] =	stream.strided.gather @!p1 [hbm4b:s21+s22], $0x4000, s23, s22, $0x38;
	[tilespmem:$0x10100] =	vst v63  }
0x46: {  	p1 =	sge.u32 s31, s7  }
.Ltmp2:
0x47: {  	_ = 	snop;
	(pc) =	sbr.rel @p1 .LBB1_5-.Ltmp2, $1  }
0x48: {  	_ =	sdelay $0x3  }
0x49: {  	s20 =	simm.s32 $0x1  }
0x4a: {  	_ =	swait.ge [sflag:s6], $0x4000;
	s20 =	simm.s32 @!p0 $0x0  }
0x4b: {  	[sflag:s6] =	ssyncset.done $0x0;
	s21 =	sshll.u32 s20, $0xE  }
0x4c: {  	[sflag:s6] =	ssyncadd.s32 $0xFFFFC000;
	s21 =	sor.u32 $0x40, s21  }
0x4d: {  	s20 =	smul.u32 $0x10200, s20;
	v0 =	vld [tilespmem:s21+$0x30]  }
0x4e: {  	v1 =	vld [tilespmem:s21+$0xFFFFFFD0]  }
0x4f: {  	s20 =	sshrl.u32 s20, $0x2;
	v5 =	vld [tilespmem:s21+$0xFFFFFFE0]  }
0x50: {  	v6 =	vld [tilespmem:s21+$0xFFFFFFF0];
	s23 =	sor.u32 $0x8000, s20  }
0x51: {  	s31 =	sand.u32 $0x1, s16;
	v4 =	vld [tilespmem:s21+$0x0];
	s22 =	sadd.s32 $0x0, s23  }
0x52: {  	v3 =	vld [tilespmem:s21+$0x10];
	s20 =	smul.u32 $0x10200, s31;
	[tilespmem:s22+$0x3870 ss:$0x81] =	vst.msk $0xffff, v0  }
0x53: {  	v2 =	vld [tilespmem:s21+$0x20];
	[tilespmem:s22+$0x810 ss:$0x81] =	vst.msk $0xffff, v1  }
0x54: {  	s20 =	sshrl.u32 s20, $0x2;
	v1 =	vld [tilespmem:s21+$0xFFFFFFC0];
	[tilespmem:s22+$0x1020 ss:$0x81] =	vst.msk $0xffff, v5;
	s21 =	sadd.s32 $0x80, s21  }
0x55: {  	s24 =	simm.s32 $0x4;
	s25 =	simm.s32 $0x8;
	s20 =	sor.u32 $0x8000, s20;
	[tilespmem:s22+$0x1830 ss:$0x81] =	vst.msk $0xffff, v6;
	v0 =	vld [tilespmem:s21+$0x30]  }
.LBB1_3:
0x56: {  	p1 =	sne.s32 s25, $0x1FC;
	v5 =	vld [tilespmem:s21+$0xFFFFFFD0];
	[tilespmem:s22+$0x2040 ss:$0x81] =	vst.msk $0xffff, v4  }
0x57: {  	v6 =	vld [tilespmem:s21+$0xFFFFFFE0];
	[tilespmem:s22+$0x2850 ss:$0x81] =	vst.msk $0xffff, v3  }
0x58: {  	s26 =	sshra.s32 s24, $0x2;
	s24 =	smov.u32 s25;
	v7 =	vld [tilespmem:s21+$0xFFFFFFF0];
	[tilespmem:s22+$0x3060 ss:$0x81] =	vst.msk $0xffff, v2  }
.Ltmp3:
0x59: {  	v4 =	vld [tilespmem:s21+$0x0];
	[tilespmem:s22+$0x0 ss:$0x81] =	vst.msk $0xffff, v1;
	s22 =	sadd.s32 s26, s23;
	(pc) =	sbr.rel @p1 .LBB1_3-.Ltmp3, $4  }
0x5a: {  	v3 =	vld [tilespmem:s21+$0x10];
	[tilespmem:s22+$0x3870 ss:$0x81] =	vst.msk $0xffff, v0  }
0x5b: {  	[tilespmem:s22+$0x810 ss:$0x81] =	vst.msk $0xffff, v5;
	v2 =	vld [tilespmem:s21+$0x20]  }
0x5c: {  	v1 =	vld [tilespmem:s21+$0xFFFFFFC0];
	[tilespmem:s22+$0x1020 ss:$0x81] =	vst.msk $0xffff, v6;
	s21 =	sadd.s32 $0x80, s21  }
0x5d: {  	s25 =	sadd.s32 $0x4, s25;
	v0 =	vld [tilespmem:s21+$0x30];
	[tilespmem:s22+$0x1830 ss:$0x81] =	vst.msk $0xffff, v7  }
.Ltmp4:
0x5e: {  	_ = 	snop;
	(pc) =	sbr.rel .LBB1_4-.Ltmp4, $1  }
0x5f: {  	_ =	sdelay $0x3  }
.LBB1_6:
0x60: {  	_ =	sfence.sel $0x180000  }
0x61: {  	s2 =	simm.s32 $0x1;
	[bflag:$0x0] =	sbarrier.arrive $0xFFFF  }
0x62: {  	s31 =	simm.s32 $0x2;
	[sflag:s2] =	ssyncpa.u1 $0x1  }
0x63: {  	[sflag:s31] =	ssyncpa.u1 $0x1  }
0x64: {  	p0 =	sne.s32 s0, $0x0;
	_ =	strace $0x90000047  }
0x65: {  	s0 =	sadd.s32 @!p0 $0x100000, s1;
	[bflag:$0x2] =	sbarrier.arrive $0xFFFF  }
0x66: {  	[sflag:s0] =	ssyncadd.tile.s32 @!p0 $0x1;
	_ =	shalt  }
.Lfunc_end1:
_tile_overlayer_lowered:
.L_overlay_start_2:
0x67: {  	(tag) =	ssettag $0x2  }
0x68: {  	s0 =	rddreg [dreg:$0x0];
	s2 =	stileid.u32  }
0x69: {  	s1 =	rddreg [dreg:$0x1];
	p0 =	sne.s32 s2, $0x0  }
0x6a: {  	s3 =	rddreg [dreg:$0x2];
	[bflag:$0x3] =	sbarrier.arrive $0xFFFF;
	s2 =	simm.s32 @!p0 $0x1C01  }
0x6b: {  	[timem:s3], [sflag:s2] =	dma.local @!p0 [hbm:s0], s1  }
0x6c: {  	s0 =	simm.s32 @!p0 $0x1  }
0x6d: {  	_ =	swait.ge @!p0 [sflag:s0], s1  }
0x6e: {  	s1 =	ssub.s32 @!p0 $0x0, s1;
	[sflag:s0] =	ssyncset.done @!p0 $0x0  }
0x6f: {  	[sflag:s0] =	ssyncadd.s32 @!p0 s1  }
0x70: {  	[bflag:$0x3] =	sbarrier.arrive $0xFFFF  }
0x71: {  	_ =	shalt  }

</sc_bundles>
